<compile_context>
chip_gen: v7x
topology: tpu7x:2x2x1
jax: 0.10.2.dev20260603
libtpu: 0.0.44.dev20260713+nightly
codegen_flags: <defaults>
</compile_context>

<pallas_src>
import functools

import jax
import jax.numpy as jnp
from jax import lax
from jax.experimental import pallas as pl
from jax.experimental.pallas import tpu as pltpu
from jax.experimental.pallas import tpu_sc as plsc


def _tc_body(x_ref, w_ref, b_ref, cb_ref, cc_ref, n_ref, i_ref):
    xb = x_ref[0]
    K, T = cb_ref.shape[0], xb.shape[1]
    z = jnp.dot(w_ref[...], xb, preferred_element_type=jnp.float32)
    z = z + b_ref[...][:, None]
    s = jnp.dot(cb_ref[...], z, preferred_element_type=jnp.float32)
    zz = jnp.sum(z * z, axis=0, keepdims=True)
    d2 = (zz - 2.0 * s) + cc_ref[...]
    m = jnp.min(d2, axis=0, keepdims=True)
    n_ref[0] = jnp.concatenate([m, m], axis=0)
    kio = jax.lax.broadcasted_iota(jnp.int32, (K, T), 0)
    idx = jnp.min(jnp.where(d2 == m, kio, K), axis=0)
    i_ref[0] = idx.reshape(i_ref.shape[1], i_ref.shape[2])


def _tc_stage(x, W, b, codebook):
    B, C_IN, T = x.shape
    C_OUT = W.shape[0]
    K = codebook.shape[0]
    cc = jnp.sum(codebook * codebook, axis=-1)[:, None]
    return pl.pallas_call(
        _tc_body,
        grid=(B,),
        in_specs=[
            pl.BlockSpec((1, C_IN, T), lambda b_: (b_, 0, 0)),
            pl.BlockSpec((C_OUT, C_IN), lambda b_: (0, 0)),
            pl.BlockSpec((C_OUT,), lambda b_: (0,)),
            pl.BlockSpec((K, C_OUT), lambda b_: (0, 0)),
            pl.BlockSpec((K, 1), lambda b_: (0, 0)),
        ],
        out_specs=[
            pl.BlockSpec((1, 2, T), lambda b_: (b_, 0, 0)),
            pl.BlockSpec((1, 8, 128), lambda b_: (b_, 0, 0)),
        ],
        out_shape=[
            jax.ShapeDtypeStruct((B, 2, T), jnp.float32),
            jax.ShapeDtypeStruct((B, 8, 128), jnp.int32),
        ],
    )(x, W, b, codebook, cc)


def _make_sc_gather(B, T, C_OUT, n_workers=16, chunk=128):
    n_tokens = B * T
    t_per_w = n_tokens // n_workers
    n_chunks = t_per_w // chunk
    mesh = plsc.VectorSubcoreMesh(core_axis_name="c", subcore_axis_name="s",
                                  num_cores=1)

    @functools.partial(
        pl.kernel,
        mesh=mesh,
        compiler_params=pltpu.CompilerParams(use_tc_tiling_on_sc=False),
        out_type=jax.ShapeDtypeStruct((B, T, C_OUT), jnp.float32),
        scratch_types=[
            pltpu.VMEM((n_chunks, chunk), jnp.int32),
            pltpu.VMEM((t_per_w, C_OUT), jnp.float32),
            pltpu.SemaphoreType.DMA((n_chunks,)),
            pltpu.SemaphoreType.DMA,
        ],
    )
    def sc_gather(cb_hbm, idx_hbm, out_hbm, idx_v, rows_v, sem, osem):
        wid = lax.axis_index("s")
        base = wid * t_per_w
        pltpu.sync_copy(idx_hbm.at[pl.ds(wid * n_chunks, n_chunks)], idx_v)
        gathers = [
            pltpu.async_copy(cb_hbm.at[idx_v.at[c]],
                             rows_v.at[pl.ds(c * chunk, chunk)], sem.at[c])
            for c in range(n_chunks)
        ]
        writes = []
        for c, g in enumerate(gathers):
            g.wait()
            tok = base + c * chunk
            b_ = tok // T
            writes.append(
                pltpu.async_copy(rows_v.at[pl.ds(c * chunk, chunk)],
                                 out_hbm.at[b_, pl.ds(tok - b_ * T, chunk)],
                                 osem))
        for w_ in writes:
            w_.wait()

    return sc_gather


def kernel(x, W, b, codebook):
    B, _, T = x.shape
    C_OUT = W.shape[0]
    n, idx = _tc_stage(x, W, b, codebook)
    idx2d = idx.reshape(B * T // 128, 128)
    q_tm = _make_sc_gather(B, T, C_OUT)(codebook, idx2d)
    quantized = jnp.transpose(q_tm, (0, 2, 1))
    vq_norms = jnp.transpose(n, (0, 2, 1))
    return quantized, vq_norms

# --- scband reference (transcript-rebuilt; emitter-appended) ---
"""Pipeline reference for scband-vqvae-10892037063020 (READ-ONLY COPY).

The authoritative reference and input builder live on the scoring server;
editing this copy changes nothing except your own understanding.
"""

import jax, jax.numpy as jnp
import numpy as np

B, C_IN, T = 8, 96, 1024
C_OUT, K = 32, 512


def setup_inputs(seed: int = 0) -> dict:
    key = jax.random.key(seed)
    k1, k2, k3, k4 = jax.random.split(key, 4)
    x = jax.random.normal(k1, (B, C_IN, T), dtype=jnp.float32)
    W = jax.random.normal(k2, (C_OUT, C_IN), dtype=jnp.float32) * 0.05
    b = jax.random.normal(k3, (C_OUT,), dtype=jnp.float32) * 0.05
    codebook = jax.random.normal(k4, (K, C_OUT), dtype=jnp.float32) * 0.05
    return {"x": x, "W": W, "b": b, "codebook": codebook}


def reference(x, W, b, codebook):
    # nn.Conv1d(n_in, n_out, kernel_size=1) == per-timestep linear projection
    out = jnp.einsum('oc,bct->bot', W, x) + b[None, :, None]  # [B, n_out, T]
    z = jnp.transpose(out, (0, 2, 1))  # [B, T, d] continuous encodings z_e(x)
    # nearest_proto: nearest codebook vector e_{q(x)} under squared L2
    d2 = (jnp.sum(z * z, axis=-1, keepdims=True)
          - 2.0 * jnp.einsum('btd,kd->btk', z, codebook)
          + jnp.sum(codebook * codebook, axis=-1)[None, None, :])  # [B, T, K]
    idx = jnp.argmin(d2, axis=-1)  # [B, T]
    q = jnp.take(codebook, idx, axis=0)  # gather: [B, T, d]
    z_sg = jax.lax.stop_gradient(z)
    q_sg = jax.lax.stop_gradient(q)
    # vq_norms[:,:,0] = ||sg(z_e(x)) - e_{q(x)}||^2 ; vq_norms[:,:,1] = ||z_e(x) - sg(e_{q(x)})||^2
    n0 = jnp.sum((z_sg - q) ** 2, axis=-1)
    n1 = jnp.sum((z - q_sg) ** 2, axis=-1)
    vq_norms = jnp.stack([n0, n1], axis=-1)  # [B, T, 2]
    # straight-through quantized output
    q_st = z + jax.lax.stop_gradient(q - z)
    quantized = jnp.transpose(q_st, (0, 2, 1))  # [B, n_out, T]
    return quantized, vq_norms

if __name__ == "__main__":
    import jax
    _d = setup_inputs()
    print(jax.jit(kernel)(*tuple(_d.values())))

</pallas_src>

<mosaic_0001>
#map = affine_map<(d0, d1) -> (0, 0)>
#map1 = affine_map<(d0, d1) -> (0, 0, 0)>
module attributes {stable_mosaic.version = 14 : i64} {
  func.func @sc_gather(%arg0: i32, %arg1: i32, %arg2: memref<512x32xf32, #tpu.memory_space<hbm>>, %arg3: memref<64x128xi32, #tpu.memory_space<hbm>>, %arg4: memref<8x1024x32xf32, #tpu.memory_space<hbm>>, %arg5: memref<4x128xi32, #tpu.memory_space<vmem>>, %arg6: memref<512x32xf32, #tpu.memory_space<vmem>>, %arg7: memref<4x!tpu.dma_semaphore, #tpu.memory_space<semaphore_mem>>, %arg8: memref<!tpu.dma_semaphore, #tpu.memory_space<semaphore_mem>>) attributes {dimension_semantics = [#tpu.dimension_semantics<core_parallel>, #tpu.dimension_semantics<subcore_parallel>], iteration_bounds = array<i64: 1, 16>, scalar_prefetch = 0 : i64, scratch_operands = 4 : i64, tpu.core_type = #tpu.core_type<sc_vector_subcore>, window_params = [{transform_indices = #map}, {transform_indices = #map}, {transform_indices = #map1}]} {
    %mul3A = arith.constant 512 : i32
    %mul3A_0 = arith.muli %arg1, %mul3A : i32
    %mul3A_1 = arith.constant 4 : i32
    %mul3A_2 = arith.muli %arg1, %mul3A_1 : i32
    "tpu.region"() ({
      %run_scoped3A = tpu.sem_alloc : memref<!tpu.dma_semaphore, #tpu.memory_space<semaphore_mem>>
      %dma_start3A_308 = arith.constant 0 : i32
      %dma_start3A_309 = tpu.memref_slice %arg3[%mul3A_2, %dma_start3A_308] : memref<64x128xi32, #tpu.memory_space<hbm>> -> memref<4x128xi32, #tpu.memory_space<hbm>>
      %dma_start3A_310 = arith.constant 0 : i32
      %dma_start3A_311 = tpu.memref_slice %arg3[%mul3A_2, %dma_start3A_310] : memref<64x128xi32, #tpu.memory_space<hbm>> -> memref<4x128xi32, #tpu.memory_space<hbm>>
      tpu.enqueue_dma source(%dma_start3A_311 : memref<4x128xi32, #tpu.memory_space<hbm>>) target(%arg5 : memref<4x128xi32, #tpu.memory_space<vmem>>) target_semaphore(%run_scoped3A : memref<!tpu.dma_semaphore, #tpu.memory_space<semaphore_mem>>)
      %dma_wait3A_312 = arith.constant 0 : i32
      %dma_wait3A_313 = tpu.memref_slice %arg3[%mul3A_2, %dma_wait3A_312] : memref<64x128xi32, #tpu.memory_space<hbm>> -> memref<4x128xi32, #tpu.memory_space<hbm>>
      %dma_wait3A_314 = arith.constant 0 : i32
      %dma_wait3A_315 = tpu.memref_slice %arg3[%mul3A_2, %dma_wait3A_314] : memref<64x128xi32, #tpu.memory_space<hbm>> -> memref<4x128xi32, #tpu.memory_space<hbm>>
      tpu.wait_dma2 semaphore(%run_scoped3A : memref<!tpu.dma_semaphore, #tpu.memory_space<semaphore_mem>>) src(%dma_wait3A_315 : memref<4x128xi32, #tpu.memory_space<hbm>>) dst(%arg5 : memref<4x128xi32, #tpu.memory_space<vmem>>)
      tpu.yield
    }) : () -> ()
    %dma_start3A = arith.constant 0 : i32
    %dma_start3A_3 = arith.constant 0 : i32
    %dma_start3A_4 = arith.constant 0 : i32
    %dma_start3A_5 = arith.constant 0 : i32
    %dma_start3A_6 = tpu.memref_slice %arg6[%dma_start3A_4, %dma_start3A_5] : memref<512x32xf32, #tpu.memory_space<vmem>> -> memref<128x32xf32, #tpu.memory_space<vmem>>
    %dma_start3A_7 = arith.constant 0 : i32
    %dma_start3A_8 = tpu.memref_slice %arg5[%dma_start3A, %dma_start3A_7] : memref<4x128xi32, #tpu.memory_space<vmem>> -> memref<1x128xi32, #tpu.memory_space<vmem>>
    %dma_start3A_9 = tpu.memref_squeeze %dma_start3A_8 : memref<1x128xi32, #tpu.memory_space<vmem>> -> memref<128xi32, #tpu.memory_space<vmem>>
    %dma_start3A_10 = arith.constant 0 : i32
    %dma_start3A_11 = arith.constant 0 : i32
    %dma_start3A_12 = tpu.memref_slice %arg2[%dma_start3A_10, %dma_start3A_11] : memref<512x32xf32, #tpu.memory_space<hbm>> -> memref<512x32xf32, #tpu.memory_space<hbm>>
    %dma_start3A_13 = tpu.memref_slice %arg7[%dma_start3A_3] : memref<4x!tpu.dma_semaphore, #tpu.memory_space<semaphore_mem>> -> memref<1x!tpu.dma_semaphore, #tpu.memory_space<semaphore_mem>>
    %dma_start3A_14 = tpu.memref_squeeze %dma_start3A_13 : memref<1x!tpu.dma_semaphore, #tpu.memory_space<semaphore_mem>> -> memref<!tpu.dma_semaphore, #tpu.memory_space<semaphore_mem>>
    tpu.enqueue_indirect_dma source(%dma_start3A_12 : memref<512x32xf32, #tpu.memory_space<hbm>>) target(%dma_start3A_6 : memref<128x32xf32, #tpu.memory_space<vmem>>) offsets(%dma_start3A_9 : memref<128xi32, #tpu.memory_space<vmem>>) semaphore(%dma_start3A_14 : memref<!tpu.dma_semaphore, #tpu.memory_space<semaphore_mem>>)
    %dma_start3A_15 = arith.constant 1 : i32
    %dma_start3A_16 = arith.constant 1 : i32
    %dma_start3A_17 = arith.constant 128 : i32
    %dma_start3A_18 = arith.constant 0 : i32
    %dma_start3A_19 = tpu.memref_slice %arg6[%dma_start3A_17, %dma_start3A_18] : memref<512x32xf32, #tpu.memory_space<vmem>> -> memref<128x32xf32, #tpu.memory_space<vmem>>
    %dma_start3A_20 = arith.constant 0 : i32
    %dma_start3A_21 = tpu.memref_slice %arg5[%dma_start3A_15, %dma_start3A_20] : memref<4x128xi32, #tpu.memory_space<vmem>> -> memref<1x128xi32, #tpu.memory_space<vmem>>
    %dma_start3A_22 = tpu.memref_squeeze %dma_start3A_21 : memref<1x128xi32, #tpu.memory_space<vmem>> -> memref<128xi32, #tpu.memory_space<vmem>>
    %dma_start3A_23 = arith.constant 0 : i32
    %dma_start3A_24 = arith.constant 0 : i32
    %dma_start3A_25 = tpu.memref_slice %arg2[%dma_start3A_23, %dma_start3A_24] : memref<512x32xf32, #tpu.memory_space<hbm>> -> memref<512x32xf32, #tpu.memory_space<hbm>>
    %dma_start3A_26 = tpu.memref_slice %arg7[%dma_start3A_16] : memref<4x!tpu.dma_semaphore, #tpu.memory_space<semaphore_mem>> -> memref<1x!tpu.dma_semaphore, #tpu.memory_space<semaphore_mem>>
    %dma_start3A_27 = tpu.memref_squeeze %dma_start3A_26 : memref<1x!tpu.dma_semaphore, #tpu.memory_space<semaphore_mem>> -> memref<!tpu.dma_semaphore, #tpu.memory_space<semaphore_mem>>
    tpu.enqueue_indirect_dma source(%dma_start3A_25 : memref<512x32xf32, #tpu.memory_space<hbm>>) target(%dma_start3A_19 : memref<128x32xf32, #tpu.memory_space<vmem>>) offsets(%dma_start3A_22 : memref<128xi32, #tpu.memory_space<vmem>>) semaphore(%dma_start3A_27 : memref<!tpu.dma_semaphore, #tpu.memory_space<semaphore_mem>>)
    %dma_start3A_28 = arith.constant 2 : i32
    %dma_start3A_29 = arith.constant 2 : i32
    %dma_start3A_30 = arith.constant 256 : i32
    %dma_start3A_31 = arith.constant 0 : i32
    %dma_start3A_32 = tpu.memref_slice %arg6[%dma_start3A_30, %dma_start3A_31] : memref<512x32xf32, #tpu.memory_space<vmem>> -> memref<128x32xf32, #tpu.memory_space<vmem>>
    %dma_start3A_33 = arith.constant 0 : i32
    %dma_start3A_34 = tpu.memref_slice %arg5[%dma_start3A_28, %dma_start3A_33] : memref<4x128xi32, #tpu.memory_space<vmem>> -> memref<1x128xi32, #tpu.memory_space<vmem>>
    %dma_start3A_35 = tpu.memref_squeeze %dma_start3A_34 : memref<1x128xi32, #tpu.memory_space<vmem>> -> memref<128xi32, #tpu.memory_space<vmem>>
    %dma_start3A_36 = arith.constant 0 : i32
    %dma_start3A_37 = arith.constant 0 : i32
    %dma_start3A_38 = tpu.memref_slice %arg2[%dma_start3A_36, %dma_start3A_37] : memref<512x32xf32, #tpu.memory_space<hbm>> -> memref<512x32xf32, #tpu.memory_space<hbm>>
    %dma_start3A_39 = tpu.memref_slice %arg7[%dma_start3A_29] : memref<4x!tpu.dma_semaphore, #tpu.memory_space<semaphore_mem>> -> memref<1x!tpu.dma_semaphore, #tpu.memory_space<semaphore_mem>>
    %dma_start3A_40 = tpu.memref_squeeze %dma_start3A_39 : memref<1x!tpu.dma_semaphore, #tpu.memory_space<semaphore_mem>> -> memref<!tpu.dma_semaphore, #tpu.memory_space<semaphore_mem>>
    tpu.enqueue_indirect_dma source(%dma_start3A_38 : memref<512x32xf32, #tpu.memory_space<hbm>>) target(%dma_start3A_32 : memref<128x32xf32, #tpu.memory_space<vmem>>) offsets(%dma_start3A_35 : memref<128xi32, #tpu.memory_space<vmem>>) semaphore(%dma_start3A_40 : memref<!tpu.dma_semaphore, #tpu.memory_space<semaphore_mem>>)
    %dma_start3A_41 = arith.constant 3 : i32
    %dma_start3A_42 = arith.constant 3 : i32
    %dma_start3A_43 = arith.constant 384 : i32
    %dma_start3A_44 = arith.constant 0 : i32
    %dma_start3A_45 = tpu.memref_slice %arg6[%dma_start3A_43, %dma_start3A_44] : memref<512x32xf32, #tpu.memory_space<vmem>> -> memref<128x32xf32, #tpu.memory_space<vmem>>
    %dma_start3A_46 = arith.constant 0 : i32
    %dma_start3A_47 = tpu.memref_slice %arg5[%dma_start3A_41, %dma_start3A_46] : memref<4x128xi32, #tpu.memory_space<vmem>> -> memref<1x128xi32, #tpu.memory_space<vmem>>
    %dma_start3A_48 = tpu.memref_squeeze %dma_start3A_47 : memref<1x128xi32, #tpu.memory_space<vmem>> -> memref<128xi32, #tpu.memory_space<vmem>>
    %dma_start3A_49 = arith.constant 0 : i32
    %dma_start3A_50 = arith.constant 0 : i32
    %dma_start3A_51 = tpu.memref_slice %arg2[%dma_start3A_49, %dma_start3A_50] : memref<512x32xf32, #tpu.memory_space<hbm>> -> memref<512x32xf32, #tpu.memory_space<hbm>>
    %dma_start3A_52 = tpu.memref_slice %arg7[%dma_start3A_42] : memref<4x!tpu.dma_semaphore, #tpu.memory_space<semaphore_mem>> -> memref<1x!tpu.dma_semaphore, #tpu.memory_space<semaphore_mem>>
    %dma_start3A_53 = tpu.memref_squeeze %dma_start3A_52 : memref<1x!tpu.dma_semaphore, #tpu.memory_space<semaphore_mem>> -> memref<!tpu.dma_semaphore, #tpu.memory_space<semaphore_mem>>
    tpu.enqueue_indirect_dma source(%dma_start3A_51 : memref<512x32xf32, #tpu.memory_space<hbm>>) target(%dma_start3A_45 : memref<128x32xf32, #tpu.memory_space<vmem>>) offsets(%dma_start3A_48 : memref<128xi32, #tpu.memory_space<vmem>>) semaphore(%dma_start3A_53 : memref<!tpu.dma_semaphore, #tpu.memory_space<semaphore_mem>>)
    %dma_wait3A = arith.constant 0 : i32
    %dma_wait3A_54 = arith.constant 0 : i32
    %dma_wait3A_55 = arith.constant 0 : i32
    %dma_wait3A_56 = arith.constant 0 : i32
    %dma_wait3A_57 = tpu.memref_slice %arg6[%dma_wait3A_55, %dma_wait3A_56] : memref<512x32xf32, #tpu.memory_space<vmem>> -> memref<128x32xf32, #tpu.memory_space<vmem>>
    %dma_wait3A_58 = arith.constant 0 : i32
    %dma_wait3A_59 = tpu.memref_slice %arg5[%dma_wait3A, %dma_wait3A_58] : memref<4x128xi32, #tpu.memory_space<vmem>> -> memref<1x128xi32, #tpu.memory_space<vmem>>
    %dma_wait3A_60 = tpu.memref_squeeze %dma_wait3A_59 : memref<1x128xi32, #tpu.memory_space<vmem>> -> memref<128xi32, #tpu.memory_space<vmem>>
    %dma_wait3A_61 = arith.constant 0 : i32
    %dma_wait3A_62 = arith.constant 0 : i32
    %dma_wait3A_63 = tpu.memref_slice %arg2[%dma_wait3A_61, %dma_wait3A_62] : memref<512x32xf32, #tpu.memory_space<hbm>> -> memref<512x32xf32, #tpu.memory_space<hbm>>
    %dma_wait3A_64 = tpu.memref_slice %arg7[%dma_wait3A_54] : memref<4x!tpu.dma_semaphore, #tpu.memory_space<semaphore_mem>> -> memref<1x!tpu.dma_semaphore, #tpu.memory_space<semaphore_mem>>
    %dma_wait3A_65 = tpu.memref_squeeze %dma_wait3A_64 : memref<1x!tpu.dma_semaphore, #tpu.memory_space<semaphore_mem>> -> memref<!tpu.dma_semaphore, #tpu.memory_space<semaphore_mem>>
    tpu.wait_indirect_dma semaphore(%dma_wait3A_65 : memref<!tpu.dma_semaphore, #tpu.memory_space<semaphore_mem>>) src(%dma_wait3A_63 : memref<512x32xf32, #tpu.memory_space<hbm>>) dst(%dma_wait3A_57 : memref<128x32xf32, #tpu.memory_space<vmem>>)
    %add3A = arith.constant 0 : i32
    %add3A_66 = arith.addi %mul3A_0, %add3A : i32
    %jit3A = arith.constant 1024 : i32
    %div3A = arith.divsi %add3A_66, %jit3A : i32
    %sign3A = arith.constant 0 : i32
    %sign3A_67 = arith.cmpi sgt, %add3A_66, %sign3A : i32
    %sign3A_68 = arith.extui %sign3A_67 : i1 to i32
    %sign3A_69 = arith.constant 0 : i32
    %sign3A_70 = arith.cmpi slt, %add3A_66, %sign3A_69 : i32
    %sign3A_71 = arith.extui %sign3A_70 : i1 to i32
    %sign3A_72 = arith.subi %sign3A_68, %sign3A_71 : i32
    %sign3A_73 = arith.constant 0 : i32
    %sign3A_74 = arith.cmpi sgt, %jit3A, %sign3A_73 : i32
    %sign3A_75 = arith.extui %sign3A_74 : i1 to i32
    %sign3A_76 = arith.constant 0 : i32
    %sign3A_77 = arith.cmpi slt, %jit3A, %sign3A_76 : i32
    %sign3A_78 = arith.extui %sign3A_77 : i1 to i32
    %sign3A_79 = arith.subi %sign3A_75, %sign3A_78 : i32
    %ne3A = arith.cmpi ne, %sign3A_72, %sign3A_79 : i32
    %rem3A = arith.remsi %add3A_66, %jit3A : i32
    %ne3A_80 = arith.constant 0 : i32
    %ne3A_81 = arith.cmpi ne, %rem3A, %ne3A_80 : i32
    %and3A = arith.andi %ne3A, %ne3A_81 : i1
    %sub3A = arith.constant 1 : i32
    %sub3A_82 = arith.subi %div3A, %sub3A : i32
    %select_n3A = arith.select %and3A, %sub3A_82, %div3A : i32
    %mul3A_83 = arith.constant 1024 : i32
    %mul3A_84 = arith.muli %select_n3A, %mul3A_83 : i32
    %sub3A_85 = arith.subi %add3A_66, %mul3A_84 : i32
    %dma_start3A_86 = arith.constant 0 : i32
    %dma_start3A_87 = arith.constant 0 : i32
    %dma_start3A_88 = tpu.memref_slice %arg6[%dma_start3A_86, %dma_start3A_87] : memref<512x32xf32, #tpu.memory_space<vmem>> -> memref<128x32xf32, #tpu.memory_space<vmem>>
    %dma_start3A_89 = arith.constant 0 : i32
    %dma_start3A_90 = tpu.memref_slice %arg4[%select_n3A, %sub3A_85, %dma_start3A_89] : memref<8x1024x32xf32, #tpu.memory_space<hbm>> -> memref<1x128x32xf32, #tpu.memory_space<hbm>>
    %dma_start3A_91 = tpu.memref_squeeze %dma_start3A_90 : memref<1x128x32xf32, #tpu.memory_space<hbm>> -> memref<128x32xf32, #tpu.memory_space<hbm>>
    %dma_start3A_92 = arith.constant 0 : i32
    %dma_start3A_93 = tpu.memref_slice %arg4[%select_n3A, %sub3A_85, %dma_start3A_92] : memref<8x1024x32xf32, #tpu.memory_space<hbm>> -> memref<1x128x32xf32, #tpu.memory_space<hbm>>
    %dma_start3A_94 = tpu.memref_squeeze %dma_start3A_93 : memref<1x128x32xf32, #tpu.memory_space<hbm>> -> memref<128x32xf32, #tpu.memory_space<hbm>>
    %dma_start3A_95 = arith.constant 0 : i32
    %dma_start3A_96 = arith.constant 0 : i32
    %dma_start3A_97 = tpu.memref_slice %arg6[%dma_start3A_95, %dma_start3A_96] : memref<512x32xf32, #tpu.memory_space<vmem>> -> memref<128x32xf32, #tpu.memory_space<vmem>>
    tpu.enqueue_dma source(%dma_start3A_97 : memref<128x32xf32, #tpu.memory_space<vmem>>) target(%dma_start3A_94 : memref<128x32xf32, #tpu.memory_space<hbm>>) target_semaphore(%arg8 : memref<!tpu.dma_semaphore, #tpu.memory_space<semaphore_mem>>)
    %dma_wait3A_98 = arith.constant 1 : i32
    %dma_wait3A_99 = arith.constant 1 : i32
    %dma_wait3A_100 = arith.constant 128 : i32
    %dma_wait3A_101 = arith.constant 0 : i32
    %dma_wait3A_102 = tpu.memref_slice %arg6[%dma_wait3A_100, %dma_wait3A_101] : memref<512x32xf32, #tpu.memory_space<vmem>> -> memref<128x32xf32, #tpu.memory_space<vmem>>
    %dma_wait3A_103 = arith.constant 0 : i32
    %dma_wait3A_104 = tpu.memref_slice %arg5[%dma_wait3A_98, %dma_wait3A_103] : memref<4x128xi32, #tpu.memory_space<vmem>> -> memref<1x128xi32, #tpu.memory_space<vmem>>
    %dma_wait3A_105 = tpu.memref_squeeze %dma_wait3A_104 : memref<1x128xi32, #tpu.memory_space<vmem>> -> memref<128xi32, #tpu.memory_space<vmem>>
    %dma_wait3A_106 = arith.constant 0 : i32
    %dma_wait3A_107 = arith.constant 0 : i32
    %dma_wait3A_108 = tpu.memref_slice %arg2[%dma_wait3A_106, %dma_wait3A_107] : memref<512x32xf32, #tpu.memory_space<hbm>> -> memref<512x32xf32, #tpu.memory_space<hbm>>
    %dma_wait3A_109 = tpu.memref_slice %arg7[%dma_wait3A_99] : memref<4x!tpu.dma_semaphore, #tpu.memory_space<semaphore_mem>> -> memref<1x!tpu.dma_semaphore, #tpu.memory_space<semaphore_mem>>
    %dma_wait3A_110 = tpu.memref_squeeze %dma_wait3A_109 : memref<1x!tpu.dma_semaphore, #tpu.memory_space<semaphore_mem>> -> memref<!tpu.dma_semaphore, #tpu.memory_space<semaphore_mem>>
    tpu.wait_indirect_dma semaphore(%dma_wait3A_110 : memref<!tpu.dma_semaphore, #tpu.memory_space<semaphore_mem>>) src(%dma_wait3A_108 : memref<512x32xf32, #tpu.memory_space<hbm>>) dst(%dma_wait3A_102 : memref<128x32xf32, #tpu.memory_space<vmem>>)
    %add3A_111 = arith.constant 128 : i32
    %add3A_112 = arith.addi %mul3A_0, %add3A_111 : i32
    %jit3A_113 = arith.constant 1024 : i32
    %div3A_114 = arith.divsi %add3A_112, %jit3A_113 : i32
    %sign3A_115 = arith.constant 0 : i32
    %sign3A_116 = arith.cmpi sgt, %add3A_112, %sign3A_115 : i32
    %sign3A_117 = arith.extui %sign3A_116 : i1 to i32
    %sign3A_118 = arith.constant 0 : i32
    %sign3A_119 = arith.cmpi slt, %add3A_112, %sign3A_118 : i32
    %sign3A_120 = arith.extui %sign3A_119 : i1 to i32
    %sign3A_121 = arith.subi %sign3A_117, %sign3A_120 : i32
    %sign3A_122 = arith.constant 0 : i32
    %sign3A_123 = arith.cmpi sgt, %jit3A_113, %sign3A_122 : i32
    %sign3A_124 = arith.extui %sign3A_123 : i1 to i32
    %sign3A_125 = arith.constant 0 : i32
    %sign3A_126 = arith.cmpi slt, %jit3A_113, %sign3A_125 : i32
    %sign3A_127 = arith.extui %sign3A_126 : i1 to i32
    %sign3A_128 = arith.subi %sign3A_124, %sign3A_127 : i32
    %ne3A_129 = arith.cmpi ne, %sign3A_121, %sign3A_128 : i32
    %rem3A_130 = arith.remsi %add3A_112, %jit3A_113 : i32
    %ne3A_131 = arith.constant 0 : i32
    %ne3A_132 = arith.cmpi ne, %rem3A_130, %ne3A_131 : i32
    %and3A_133 = arith.andi %ne3A_129, %ne3A_132 : i1
    %sub3A_134 = arith.constant 1 : i32
    %sub3A_135 = arith.subi %div3A_114, %sub3A_134 : i32
    %select_n3A_136 = arith.select %and3A_133, %sub3A_135, %div3A_114 : i32
    %mul3A_137 = arith.constant 1024 : i32
    %mul3A_138 = arith.muli %select_n3A_136, %mul3A_137 : i32
    %sub3A_139 = arith.subi %add3A_112, %mul3A_138 : i32
    %dma_start3A_140 = arith.constant 128 : i32
    %dma_start3A_141 = arith.constant 0 : i32
    %dma_start3A_142 = tpu.memref_slice %arg6[%dma_start3A_140, %dma_start3A_141] : memref<512x32xf32, #tpu.memory_space<vmem>> -> memref<128x32xf32, #tpu.memory_space<vmem>>
    %dma_start3A_143 = arith.constant 0 : i32
    %dma_start3A_144 = tpu.memref_slice %arg4[%select_n3A_136, %sub3A_139, %dma_start3A_143] : memref<8x1024x32xf32, #tpu.memory_space<hbm>> -> memref<1x128x32xf32, #tpu.memory_space<hbm>>
    %dma_start3A_145 = tpu.memref_squeeze %dma_start3A_144 : memref<1x128x32xf32, #tpu.memory_space<hbm>> -> memref<128x32xf32, #tpu.memory_space<hbm>>
    %dma_start3A_146 = arith.constant 0 : i32
    %dma_start3A_147 = tpu.memref_slice %arg4[%select_n3A_136, %sub3A_139, %dma_start3A_146] : memref<8x1024x32xf32, #tpu.memory_space<hbm>> -> memref<1x128x32xf32, #tpu.memory_space<hbm>>
    %dma_start3A_148 = tpu.memref_squeeze %dma_start3A_147 : memref<1x128x32xf32, #tpu.memory_space<hbm>> -> memref<128x32xf32, #tpu.memory_space<hbm>>
    %dma_start3A_149 = arith.constant 128 : i32
    %dma_start3A_150 = arith.constant 0 : i32
    %dma_start3A_151 = tpu.memref_slice %arg6[%dma_start3A_149, %dma_start3A_150] : memref<512x32xf32, #tpu.memory_space<vmem>> -> memref<128x32xf32, #tpu.memory_space<vmem>>
    tpu.enqueue_dma source(%dma_start3A_151 : memref<128x32xf32, #tpu.memory_space<vmem>>) target(%dma_start3A_148 : memref<128x32xf32, #tpu.memory_space<hbm>>) target_semaphore(%arg8 : memref<!tpu.dma_semaphore, #tpu.memory_space<semaphore_mem>>)
    %dma_wait3A_152 = arith.constant 2 : i32
    %dma_wait3A_153 = arith.constant 2 : i32
    %dma_wait3A_154 = arith.constant 256 : i32
    %dma_wait3A_155 = arith.constant 0 : i32
    %dma_wait3A_156 = tpu.memref_slice %arg6[%dma_wait3A_154, %dma_wait3A_155] : memref<512x32xf32, #tpu.memory_space<vmem>> -> memref<128x32xf32, #tpu.memory_space<vmem>>
    %dma_wait3A_157 = arith.constant 0 : i32
    %dma_wait3A_158 = tpu.memref_slice %arg5[%dma_wait3A_152, %dma_wait3A_157] : memref<4x128xi32, #tpu.memory_space<vmem>> -> memref<1x128xi32, #tpu.memory_space<vmem>>
    %dma_wait3A_159 = tpu.memref_squeeze %dma_wait3A_158 : memref<1x128xi32, #tpu.memory_space<vmem>> -> memref<128xi32, #tpu.memory_space<vmem>>
    %dma_wait3A_160 = arith.constant 0 : i32
    %dma_wait3A_161 = arith.constant 0 : i32
    %dma_wait3A_162 = tpu.memref_slice %arg2[%dma_wait3A_160, %dma_wait3A_161] : memref<512x32xf32, #tpu.memory_space<hbm>> -> memref<512x32xf32, #tpu.memory_space<hbm>>
    %dma_wait3A_163 = tpu.memref_slice %arg7[%dma_wait3A_153] : memref<4x!tpu.dma_semaphore, #tpu.memory_space<semaphore_mem>> -> memref<1x!tpu.dma_semaphore, #tpu.memory_space<semaphore_mem>>
    %dma_wait3A_164 = tpu.memref_squeeze %dma_wait3A_163 : memref<1x!tpu.dma_semaphore, #tpu.memory_space<semaphore_mem>> -> memref<!tpu.dma_semaphore, #tpu.memory_space<semaphore_mem>>
    tpu.wait_indirect_dma semaphore(%dma_wait3A_164 : memref<!tpu.dma_semaphore, #tpu.memory_space<semaphore_mem>>) src(%dma_wait3A_162 : memref<512x32xf32, #tpu.memory_space<hbm>>) dst(%dma_wait3A_156 : memref<128x32xf32, #tpu.memory_space<vmem>>)
    %add3A_165 = arith.constant 256 : i32
    %add3A_166 = arith.addi %mul3A_0, %add3A_165 : i32
    %jit3A_167 = arith.constant 1024 : i32
    %div3A_168 = arith.divsi %add3A_166, %jit3A_167 : i32
    %sign3A_169 = arith.constant 0 : i32
    %sign3A_170 = arith.cmpi sgt, %add3A_166, %sign3A_169 : i32
    %sign3A_171 = arith.extui %sign3A_170 : i1 to i32
    %sign3A_172 = arith.constant 0 : i32
    %sign3A_173 = arith.cmpi slt, %add3A_166, %sign3A_172 : i32
    %sign3A_174 = arith.extui %sign3A_173 : i1 to i32
    %sign3A_175 = arith.subi %sign3A_171, %sign3A_174 : i32
    %sign3A_176 = arith.constant 0 : i32
    %sign3A_177 = arith.cmpi sgt, %jit3A_167, %sign3A_176 : i32
    %sign3A_178 = arith.extui %sign3A_177 : i1 to i32
    %sign3A_179 = arith.constant 0 : i32
    %sign3A_180 = arith.cmpi slt, %jit3A_167, %sign3A_179 : i32
    %sign3A_181 = arith.extui %sign3A_180 : i1 to i32
    %sign3A_182 = arith.subi %sign3A_178, %sign3A_181 : i32
    %ne3A_183 = arith.cmpi ne, %sign3A_175, %sign3A_182 : i32
    %rem3A_184 = arith.remsi %add3A_166, %jit3A_167 : i32
    %ne3A_185 = arith.constant 0 : i32
    %ne3A_186 = arith.cmpi ne, %rem3A_184, %ne3A_185 : i32
    %and3A_187 = arith.andi %ne3A_183, %ne3A_186 : i1
    %sub3A_188 = arith.constant 1 : i32
    %sub3A_189 = arith.subi %div3A_168, %sub3A_188 : i32
    %select_n3A_190 = arith.select %and3A_187, %sub3A_189, %div3A_168 : i32
    %mul3A_191 = arith.constant 1024 : i32
    %mul3A_192 = arith.muli %select_n3A_190, %mul3A_191 : i32
    %sub3A_193 = arith.subi %add3A_166, %mul3A_192 : i32
    %dma_start3A_194 = arith.constant 256 : i32
    %dma_start3A_195 = arith.constant 0 : i32
    %dma_start3A_196 = tpu.memref_slice %arg6[%dma_start3A_194, %dma_start3A_195] : memref<512x32xf32, #tpu.memory_space<vmem>> -> memref<128x32xf32, #tpu.memory_space<vmem>>
    %dma_start3A_197 = arith.constant 0 : i32
    %dma_start3A_198 = tpu.memref_slice %arg4[%select_n3A_190, %sub3A_193, %dma_start3A_197] : memref<8x1024x32xf32, #tpu.memory_space<hbm>> -> memref<1x128x32xf32, #tpu.memory_space<hbm>>
    %dma_start3A_199 = tpu.memref_squeeze %dma_start3A_198 : memref<1x128x32xf32, #tpu.memory_space<hbm>> -> memref<128x32xf32, #tpu.memory_space<hbm>>
    %dma_start3A_200 = arith.constant 0 : i32
    %dma_start3A_201 = tpu.memref_slice %arg4[%select_n3A_190, %sub3A_193, %dma_start3A_200] : memref<8x1024x32xf32, #tpu.memory_space<hbm>> -> memref<1x128x32xf32, #tpu.memory_space<hbm>>
    %dma_start3A_202 = tpu.memref_squeeze %dma_start3A_201 : memref<1x128x32xf32, #tpu.memory_space<hbm>> -> memref<128x32xf32, #tpu.memory_space<hbm>>
    %dma_start3A_203 = arith.constant 256 : i32
    %dma_start3A_204 = arith.constant 0 : i32
    %dma_start3A_205 = tpu.memref_slice %arg6[%dma_start3A_203, %dma_start3A_204] : memref<512x32xf32, #tpu.memory_space<vmem>> -> memref<128x32xf32, #tpu.memory_space<vmem>>
    tpu.enqueue_dma source(%dma_start3A_205 : memref<128x32xf32, #tpu.memory_space<vmem>>) target(%dma_start3A_202 : memref<128x32xf32, #tpu.memory_space<hbm>>) target_semaphore(%arg8 : memref<!tpu.dma_semaphore, #tpu.memory_space<semaphore_mem>>)
    %dma_wait3A_206 = arith.constant 3 : i32
    %dma_wait3A_207 = arith.constant 3 : i32
    %dma_wait3A_208 = arith.constant 384 : i32
    %dma_wait3A_209 = arith.constant 0 : i32
    %dma_wait3A_210 = tpu.memref_slice %arg6[%dma_wait3A_208, %dma_wait3A_209] : memref<512x32xf32, #tpu.memory_space<vmem>> -> memref<128x32xf32, #tpu.memory_space<vmem>>
    %dma_wait3A_211 = arith.constant 0 : i32
    %dma_wait3A_212 = tpu.memref_slice %arg5[%dma_wait3A_206, %dma_wait3A_211] : memref<4x128xi32, #tpu.memory_space<vmem>> -> memref<1x128xi32, #tpu.memory_space<vmem>>
    %dma_wait3A_213 = tpu.memref_squeeze %dma_wait3A_212 : memref<1x128xi32, #tpu.memory_space<vmem>> -> memref<128xi32, #tpu.memory_space<vmem>>
    %dma_wait3A_214 = arith.constant 0 : i32
    %dma_wait3A_215 = arith.constant 0 : i32
    %dma_wait3A_216 = tpu.memref_slice %arg2[%dma_wait3A_214, %dma_wait3A_215] : memref<512x32xf32, #tpu.memory_space<hbm>> -> memref<512x32xf32, #tpu.memory_space<hbm>>
    %dma_wait3A_217 = tpu.memref_slice %arg7[%dma_wait3A_207] : memref<4x!tpu.dma_semaphore, #tpu.memory_space<semaphore_mem>> -> memref<1x!tpu.dma_semaphore, #tpu.memory_space<semaphore_mem>>
    %dma_wait3A_218 = tpu.memref_squeeze %dma_wait3A_217 : memref<1x!tpu.dma_semaphore, #tpu.memory_space<semaphore_mem>> -> memref<!tpu.dma_semaphore, #tpu.memory_space<semaphore_mem>>
    tpu.wait_indirect_dma semaphore(%dma_wait3A_218 : memref<!tpu.dma_semaphore, #tpu.memory_space<semaphore_mem>>) src(%dma_wait3A_216 : memref<512x32xf32, #tpu.memory_space<hbm>>) dst(%dma_wait3A_210 : memref<128x32xf32, #tpu.memory_space<vmem>>)
    %add3A_219 = arith.constant 384 : i32
    %add3A_220 = arith.addi %mul3A_0, %add3A_219 : i32
    %jit3A_221 = arith.constant 1024 : i32
    %div3A_222 = arith.divsi %add3A_220, %jit3A_221 : i32
    %sign3A_223 = arith.constant 0 : i32
    %sign3A_224 = arith.cmpi sgt, %add3A_220, %sign3A_223 : i32
    %sign3A_225 = arith.extui %sign3A_224 : i1 to i32
    %sign3A_226 = arith.constant 0 : i32
    %sign3A_227 = arith.cmpi slt, %add3A_220, %sign3A_226 : i32
    %sign3A_228 = arith.extui %sign3A_227 : i1 to i32
    %sign3A_229 = arith.subi %sign3A_225, %sign3A_228 : i32
    %sign3A_230 = arith.constant 0 : i32
    %sign3A_231 = arith.cmpi sgt, %jit3A_221, %sign3A_230 : i32
    %sign3A_232 = arith.extui %sign3A_231 : i1 to i32
    %sign3A_233 = arith.constant 0 : i32
    %sign3A_234 = arith.cmpi slt, %jit3A_221, %sign3A_233 : i32
    %sign3A_235 = arith.extui %sign3A_234 : i1 to i32
    %sign3A_236 = arith.subi %sign3A_232, %sign3A_235 : i32
    %ne3A_237 = arith.cmpi ne, %sign3A_229, %sign3A_236 : i32
    %rem3A_238 = arith.remsi %add3A_220, %jit3A_221 : i32
    %ne3A_239 = arith.constant 0 : i32
    %ne3A_240 = arith.cmpi ne, %rem3A_238, %ne3A_239 : i32
    %and3A_241 = arith.andi %ne3A_237, %ne3A_240 : i1
    %sub3A_242 = arith.constant 1 : i32
    %sub3A_243 = arith.subi %div3A_222, %sub3A_242 : i32
    %select_n3A_244 = arith.select %and3A_241, %sub3A_243, %div3A_222 : i32
    %mul3A_245 = arith.constant 1024 : i32
    %mul3A_246 = arith.muli %select_n3A_244, %mul3A_245 : i32
    %sub3A_247 = arith.subi %add3A_220, %mul3A_246 : i32
    %dma_start3A_248 = arith.constant 384 : i32
    %dma_start3A_249 = arith.constant 0 : i32
    %dma_start3A_250 = tpu.memref_slice %arg6[%dma_start3A_248, %dma_start3A_249] : memref<512x32xf32, #tpu.memory_space<vmem>> -> memref<128x32xf32, #tpu.memory_space<vmem>>
    %dma_start3A_251 = arith.constant 0 : i32
    %dma_start3A_252 = tpu.memref_slice %arg4[%select_n3A_244, %sub3A_247, %dma_start3A_251] : memref<8x1024x32xf32, #tpu.memory_space<hbm>> -> memref<1x128x32xf32, #tpu.memory_space<hbm>>
    %dma_start3A_253 = tpu.memref_squeeze %dma_start3A_252 : memref<1x128x32xf32, #tpu.memory_space<hbm>> -> memref<128x32xf32, #tpu.memory_space<hbm>>
    %dma_start3A_254 = arith.constant 0 : i32
    %dma_start3A_255 = tpu.memref_slice %arg4[%select_n3A_244, %sub3A_247, %dma_start3A_254] : memref<8x1024x32xf32, #tpu.memory_space<hbm>> -> memref<1x128x32xf32, #tpu.memory_space<hbm>>
    %dma_start3A_256 = tpu.memref_squeeze %dma_start3A_255 : memref<1x128x32xf32, #tpu.memory_space<hbm>> -> memref<128x32xf32, #tpu.memory_space<hbm>>
    %dma_start3A_257 = arith.constant 384 : i32
    %dma_start3A_258 = arith.constant 0 : i32
    %dma_start3A_259 = tpu.memref_slice %arg6[%dma_start3A_257, %dma_start3A_258] : memref<512x32xf32, #tpu.memory_space<vmem>> -> memref<128x32xf32, #tpu.memory_space<vmem>>
    tpu.enqueue_dma source(%dma_start3A_259 : memref<128x32xf32, #tpu.memory_space<vmem>>) target(%dma_start3A_256 : memref<128x32xf32, #tpu.memory_space<hbm>>) target_semaphore(%arg8 : memref<!tpu.dma_semaphore, #tpu.memory_space<semaphore_mem>>)
    %dma_wait3A_260 = arith.constant 0 : i32
    %dma_wait3A_261 = arith.constant 0 : i32
    %dma_wait3A_262 = tpu.memref_slice %arg6[%dma_wait3A_260, %dma_wait3A_261] : memref<512x32xf32, #tpu.memory_space<vmem>> -> memref<128x32xf32, #tpu.memory_space<vmem>>
    %dma_wait3A_263 = arith.constant 0 : i32
    %dma_wait3A_264 = tpu.memref_slice %arg4[%select_n3A, %sub3A_85, %dma_wait3A_263] : memref<8x1024x32xf32, #tpu.memory_space<hbm>> -> memref<1x128x32xf32, #tpu.memory_space<hbm>>
    %dma_wait3A_265 = tpu.memref_squeeze %dma_wait3A_264 : memref<1x128x32xf32, #tpu.memory_space<hbm>> -> memref<128x32xf32, #tpu.memory_space<hbm>>
    %dma_wait3A_266 = arith.constant 0 : i32
    %dma_wait3A_267 = tpu.memref_slice %arg4[%select_n3A, %sub3A_85, %dma_wait3A_266] : memref<8x1024x32xf32, #tpu.memory_space<hbm>> -> memref<1x128x32xf32, #tpu.memory_space<hbm>>
    %dma_wait3A_268 = tpu.memref_squeeze %dma_wait3A_267 : memref<1x128x32xf32, #tpu.memory_space<hbm>> -> memref<128x32xf32, #tpu.memory_space<hbm>>
    %dma_wait3A_269 = arith.constant 0 : i32
    %dma_wait3A_270 = arith.constant 0 : i32
    %dma_wait3A_271 = tpu.memref_slice %arg6[%dma_wait3A_269, %dma_wait3A_270] : memref<512x32xf32, #tpu.memory_space<vmem>> -> memref<128x32xf32, #tpu.memory_space<vmem>>
    tpu.wait_dma2 semaphore(%arg8 : memref<!tpu.dma_semaphore, #tpu.memory_space<semaphore_mem>>) src(%dma_wait3A_271 : memref<128x32xf32, #tpu.memory_space<vmem>>) dst(%dma_wait3A_268 : memref<128x32xf32, #tpu.memory_space<hbm>>)
    %dma_wait3A_272 = arith.constant 128 : i32
    %dma_wait3A_273 = arith.constant 0 : i32
    %dma_wait3A_274 = tpu.memref_slice %arg6[%dma_wait3A_272, %dma_wait3A_273] : memref<512x32xf32, #tpu.memory_space<vmem>> -> memref<128x32xf32, #tpu.memory_space<vmem>>
    %dma_wait3A_275 = arith.constant 0 : i32
    %dma_wait3A_276 = tpu.memref_slice %arg4[%select_n3A_136, %sub3A_139, %dma_wait3A_275] : memref<8x1024x32xf32, #tpu.memory_space<hbm>> -> memref<1x128x32xf32, #tpu.memory_space<hbm>>
    %dma_wait3A_277 = tpu.memref_squeeze %dma_wait3A_276 : memref<1x128x32xf32, #tpu.memory_space<hbm>> -> memref<128x32xf32, #tpu.memory_space<hbm>>
    %dma_wait3A_278 = arith.constant 0 : i32
    %dma_wait3A_279 = tpu.memref_slice %arg4[%select_n3A_136, %sub3A_139, %dma_wait3A_278] : memref<8x1024x32xf32, #tpu.memory_space<hbm>> -> memref<1x128x32xf32, #tpu.memory_space<hbm>>
    %dma_wait3A_280 = tpu.memref_squeeze %dma_wait3A_279 : memref<1x128x32xf32, #tpu.memory_space<hbm>> -> memref<128x32xf32, #tpu.memory_space<hbm>>
    %dma_wait3A_281 = arith.constant 128 : i32
    %dma_wait3A_282 = arith.constant 0 : i32
    %dma_wait3A_283 = tpu.memref_slice %arg6[%dma_wait3A_281, %dma_wait3A_282] : memref<512x32xf32, #tpu.memory_space<vmem>> -> memref<128x32xf32, #tpu.memory_space<vmem>>
    tpu.wait_dma2 semaphore(%arg8 : memref<!tpu.dma_semaphore, #tpu.memory_space<semaphore_mem>>) src(%dma_wait3A_283 : memref<128x32xf32, #tpu.memory_space<vmem>>) dst(%dma_wait3A_280 : memref<128x32xf32, #tpu.memory_space<hbm>>)
    %dma_wait3A_284 = arith.constant 256 : i32
    %dma_wait3A_285 = arith.constant 0 : i32
    %dma_wait3A_286 = tpu.memref_slice %arg6[%dma_wait3A_284, %dma_wait3A_285] : memref<512x32xf32, #tpu.memory_space<vmem>> -> memref<128x32xf32, #tpu.memory_space<vmem>>
    %dma_wait3A_287 = arith.constant 0 : i32
    %dma_wait3A_288 = tpu.memref_slice %arg4[%select_n3A_190, %sub3A_193, %dma_wait3A_287] : memref<8x1024x32xf32, #tpu.memory_space<hbm>> -> memref<1x128x32xf32, #tpu.memory_space<hbm>>
    %dma_wait3A_289 = tpu.memref_squeeze %dma_wait3A_288 : memref<1x128x32xf32, #tpu.memory_space<hbm>> -> memref<128x32xf32, #tpu.memory_space<hbm>>
    %dma_wait3A_290 = arith.constant 0 : i32
    %dma_wait3A_291 = tpu.memref_slice %arg4[%select_n3A_190, %sub3A_193, %dma_wait3A_290] : memref<8x1024x32xf32, #tpu.memory_space<hbm>> -> memref<1x128x32xf32, #tpu.memory_space<hbm>>
    %dma_wait3A_292 = tpu.memref_squeeze %dma_wait3A_291 : memref<1x128x32xf32, #tpu.memory_space<hbm>> -> memref<128x32xf32, #tpu.memory_space<hbm>>
    %dma_wait3A_293 = arith.constant 256 : i32
    %dma_wait3A_294 = arith.constant 0 : i32
    %dma_wait3A_295 = tpu.memref_slice %arg6[%dma_wait3A_293, %dma_wait3A_294] : memref<512x32xf32, #tpu.memory_space<vmem>> -> memref<128x32xf32, #tpu.memory_space<vmem>>
    tpu.wait_dma2 semaphore(%arg8 : memref<!tpu.dma_semaphore, #tpu.memory_space<semaphore_mem>>) src(%dma_wait3A_295 : memref<128x32xf32, #tpu.memory_space<vmem>>) dst(%dma_wait3A_292 : memref<128x32xf32, #tpu.memory_space<hbm>>)
    %dma_wait3A_296 = arith.constant 384 : i32
    %dma_wait3A_297 = arith.constant 0 : i32
    %dma_wait3A_298 = tpu.memref_slice %arg6[%dma_wait3A_296, %dma_wait3A_297] : memref<512x32xf32, #tpu.memory_space<vmem>> -> memref<128x32xf32, #tpu.memory_space<vmem>>
    %dma_wait3A_299 = arith.constant 0 : i32
    %dma_wait3A_300 = tpu.memref_slice %arg4[%select_n3A_244, %sub3A_247, %dma_wait3A_299] : memref<8x1024x32xf32, #tpu.memory_space<hbm>> -> memref<1x128x32xf32, #tpu.memory_space<hbm>>
    %dma_wait3A_301 = tpu.memref_squeeze %dma_wait3A_300 : memref<1x128x32xf32, #tpu.memory_space<hbm>> -> memref<128x32xf32, #tpu.memory_space<hbm>>
    %dma_wait3A_302 = arith.constant 0 : i32
    %dma_wait3A_303 = tpu.memref_slice %arg4[%select_n3A_244, %sub3A_247, %dma_wait3A_302] : memref<8x1024x32xf32, #tpu.memory_space<hbm>> -> memref<1x128x32xf32, #tpu.memory_space<hbm>>
    %dma_wait3A_304 = tpu.memref_squeeze %dma_wait3A_303 : memref<1x128x32xf32, #tpu.memory_space<hbm>> -> memref<128x32xf32, #tpu.memory_space<hbm>>
    %dma_wait3A_305 = arith.constant 384 : i32
    %dma_wait3A_306 = arith.constant 0 : i32
    %dma_wait3A_307 = tpu.memref_slice %arg6[%dma_wait3A_305, %dma_wait3A_306] : memref<512x32xf32, #tpu.memory_space<vmem>> -> memref<128x32xf32, #tpu.memory_space<vmem>>
    tpu.wait_dma2 semaphore(%arg8 : memref<!tpu.dma_semaphore, #tpu.memory_space<semaphore_mem>>) src(%dma_wait3A_307 : memref<128x32xf32, #tpu.memory_space<vmem>>) dst(%dma_wait3A_304 : memref<128x32xf32, #tpu.memory_space<hbm>>)
    return
  }
}

module attributes {stable_mosaic.version = 14 : i64} {
  func.func @_tc_body(%arg0: i32, %arg1: memref<1x96x1024xf32, #tpu.memory_space<vmem>>, %arg2: memref<32x96xf32, #tpu.memory_space<vmem>>, %arg3: memref<32xf32, #tpu.memory_space<vmem>>, %arg4: memref<512x32xf32, #tpu.memory_space<vmem>>, %arg5: memref<512x1xf32, #tpu.memory_space<vmem>>, %arg6: memref<1x2x1024xf32, #tpu.memory_space<vmem>>, %arg7: memref<1x8x128xi32, #tpu.memory_space<vmem>>) attributes {dimension_semantics = [#tpu.dimension_semantics<arbitrary>], iteration_bounds = array<i64: 8>, scalar_prefetch = 0 : i64, scratch_operands = 0 : i64, tpu.core_type = #tpu.core_type<tc>, window_params = [{transform_indices = @transform_0, window_bounds = array<i64: 1, 96, 1024>}, {pipeline_mode = #tpu.pipeline_mode<synchronous>, transform_indices = @transform_1, window_bounds = array<i64: 32, 96>}, {pipeline_mode = #tpu.pipeline_mode<synchronous>, transform_indices = @transform_2, window_bounds = array<i64: 32>}, {pipeline_mode = #tpu.pipeline_mode<synchronous>, transform_indices = @transform_3, window_bounds = array<i64: 512, 32>}, {pipeline_mode = #tpu.pipeline_mode<synchronous>, transform_indices = @transform_4, window_bounds = array<i64: 512, 1>}, {transform_indices = @transform_5, window_bounds = array<i64: 1, 2, 1024>}, {transform_indices = @transform_6, window_bounds = array<i64: 1, 8, 128>}]} {
    %get3A = arith.constant 0 : index
    %get3A_0 = arith.constant 0 : index
    %get3A_1 = arith.constant 0 : index
    %get3A_2 = vector.load %arg1[%get3A, %get3A_0, %get3A_1] : memref<1x96x1024xf32, #tpu.memory_space<vmem>>, vector<1x96x1024xf32>
    %get3A_3 = vector.shape_cast %get3A_2 : vector<1x96x1024xf32> to vector<96x1024xf32>
    %get3A_4 = arith.constant 0 : index
    %get3A_5 = arith.constant 0 : index
    %get3A_6 = vector.load %arg2[%get3A_4, %get3A_5] : memref<32x96xf32, #tpu.memory_space<vmem>>, vector<32x96xf32>
    %dot_general3A = arith.constant dense<0.000000e+00> : vector<32x1024xf32>
    %dot_general3A_7 = tpu.matmul %get3A_6, %get3A_3, %dot_general3A {dimension_numbers = #tpu.dot_dimension_numbers<[1], [0], [0], [1], [0, 0, 1, 1], [], []>, transpose_lhs_hint = false} : vector<32x96xf32>, vector<96x1024xf32>, vector<32x1024xf32> -> vector<32x1024xf32>
    %get3A_8 = arith.constant 0 : index
    %get3A_9 = vector.load %arg3[%get3A_8] : memref<32xf32, #tpu.memory_space<vmem>>, vector<32xf32>
    %broadcast_in_dim3A = vector.shape_cast %get3A_9 : vector<32xf32> to vector<32x1xf32>
    %add3A = vector.broadcast %broadcast_in_dim3A : vector<32x1xf32> to vector<32x1024xf32>
    %add3A_10 = arith.addf %dot_general3A_7, %add3A : vector<32x1024xf32>
    %get3A_11 = arith.constant 0 : index
    %get3A_12 = arith.constant 0 : index
    %get3A_13 = vector.load %arg4[%get3A_11, %get3A_12] : memref<512x32xf32, #tpu.memory_space<vmem>>, vector<512x32xf32>
    %dot_general3A_14 = arith.constant dense<0.000000e+00> : vector<512x1024xf32>
    %dot_general3A_15 = tpu.matmul %get3A_13, %add3A_10, %dot_general3A_14 {dimension_numbers = #tpu.dot_dimension_numbers<[1], [0], [0], [1], [0, 0, 1, 1], [], []>, transpose_lhs_hint = false} : vector<512x32xf32>, vector<32x1024xf32>, vector<512x1024xf32> -> vector<512x1024xf32>
    %mul3A = arith.mulf %add3A_10, %add3A_10 : vector<32x1024xf32>
    %reduce_sum3A = arith.constant dense<0.000000e+00> : vector<1024xf32>
    %reduce_sum3A_16 = vector.multi_reduction <add>, %mul3A, %reduce_sum3A [0] : vector<32x1024xf32> to vector<1024xf32>
    %broadcast_in_dim3A_17 = vector.shape_cast %reduce_sum3A_16 : vector<1024xf32> to vector<1x1024xf32>
    %mul3A_18 = arith.constant 2.000000e+00 : f32
    %mul3A_19 = vector.broadcast %mul3A_18 : f32 to vector<512x1024xf32>
    %mul3A_20 = arith.mulf %mul3A_19, %dot_general3A_15 : vector<512x1024xf32>
    %sub3A = vector.broadcast %broadcast_in_dim3A_17 : vector<1x1024xf32> to vector<512x1024xf32>
    %sub3A_21 = arith.subf %sub3A, %mul3A_20 : vector<512x1024xf32>
    %get3A_22 = arith.constant 0 : index
    %get3A_23 = arith.constant 0 : index
    %get3A_24 = vector.load %arg5[%get3A_22, %get3A_23] : memref<512x1xf32, #tpu.memory_space<vmem>>, vector<512x1xf32>
    %add3A_25 = vector.broadcast %get3A_24 : vector<512x1xf32> to vector<512x1024xf32>
    %add3A_26 = arith.addf %sub3A_21, %add3A_25 : vector<512x1024xf32>
    %reduce_min3A = arith.constant dense<0x7F800000> : vector<1024xf32>
    %reduce_min3A_27 = vector.multi_reduction <minimumf>, %add3A_26, %reduce_min3A [0] : vector<512x1024xf32> to vector<1024xf32>
    %broadcast_in_dim3A_28 = vector.shape_cast %reduce_min3A_27 : vector<1024xf32> to vector<1x1024xf32>
    %concatenate3A = tpu.concatenate %broadcast_in_dim3A_28, %broadcast_in_dim3A_28 in 0 : vector<1x1024xf32>, vector<1x1024xf32> -> vector<2x1024xf32>
    %swap3A = arith.constant 0 : index
    %swap3A_29 = arith.constant 0 : index
    %swap3A_30 = arith.constant 0 : index
    %swap3A_31 = vector.load %arg6[%swap3A, %swap3A_29, %swap3A_30] : memref<1x2x1024xf32, #tpu.memory_space<vmem>>, vector<1x2x1024xf32>
    %swap3A_32 = vector.shape_cast %swap3A_31 : vector<1x2x1024xf32> to vector<2x1024xf32>
    %swap3A_33 = vector.shape_cast %concatenate3A : vector<2x1024xf32> to vector<1x2x1024xf32>
    tpu.vector_store %arg6[%swap3A, %swap3A_29, %swap3A_30], %swap3A_33 {strides = array<i32>} : memref<1x2x1024xf32, #tpu.memory_space<vmem>>, vector<1x2x1024xf32>,
    %iota3A = tpu.iota {dimensions = array<i32: 0>} : vector<512x1024xi32>
    %eq3A = vector.broadcast %broadcast_in_dim3A_28 : vector<1x1024xf32> to vector<512x1024xf32>
    %eq3A_34 = arith.cmpf oeq, %add3A_26, %eq3A : vector<512x1024xf32>
    %jit3A = arith.constant 512 : i32
    %broadcast_in_dim3A_35 = vector.broadcast %jit3A : i32 to vector<512x1024xi32>
    %select_n3A = arith.select %eq3A_34, %iota3A, %broadcast_in_dim3A_35 : vector<512x1024xi1>, vector<512x1024xi32>
    %reduce_min3A_36 = arith.constant dense<2147483647> : vector<1024xi32>
    %reduce_min3A_37 = vector.multi_reduction <minsi>, %select_n3A, %reduce_min3A_36 [0] : vector<512x1024xi32> to vector<1024xi32>
    %reshape3A = vector.shape_cast %reduce_min3A_37 : vector<1024xi32> to vector<8x128xi32>
    %swap3A_38 = arith.constant 0 : index
    %swap3A_39 = arith.constant 0 : index
    %swap3A_40 = arith.constant 0 : index
    %swap3A_41 = vector.load %arg7[%swap3A_38, %swap3A_39, %swap3A_40] : memref<1x8x128xi32, #tpu.memory_space<vmem>>, vector<1x8x128xi32>
    %swap3A_42 = vector.shape_cast %swap3A_41 : vector<1x8x128xi32> to vector<8x128xi32>
    %swap3A_43 = vector.shape_cast %reshape3A : vector<8x128xi32> to vector<1x8x128xi32>
    tpu.vector_store %arg7[%swap3A_38, %swap3A_39, %swap3A_40], %swap3A_43 {strides = array<i32>} : memref<1x8x128xi32, #tpu.memory_space<vmem>>, vector<1x8x128xi32>,
    return
  }
  func.func @transform_0(%arg0: i32) -> (i32, i32, i32) {
    %c0_i32 = arith.constant 0 : i32
    %c0_i32_0 = arith.constant 0 : i32
    %c0_i32_1 = arith.constant 0 : i32
    return %arg0, %c0_i32, %c0_i32_0 : i32, i32, i32
  }
  func.func @transform_1(%arg0: i32) -> (i32, i32) {
    %c0_i32 = arith.constant 0 : i32
    %c0_i32_0 = arith.constant 0 : i32
    %c0_i32_1 = arith.constant 0 : i32
    return %c0_i32, %c0_i32_0 : i32, i32
  }
  func.func @transform_2(%arg0: i32) -> i32 {
    %c0_i32 = arith.constant 0 : i32
    %c0_i32_0 = arith.constant 0 : i32
    return %c0_i32 : i32
  }
  func.func @transform_3(%arg0: i32) -> (i32, i32) {
    %c0_i32 = arith.constant 0 : i32
    %c0_i32_0 = arith.constant 0 : i32
    %c0_i32_1 = arith.constant 0 : i32
    return %c0_i32, %c0_i32_0 : i32, i32
  }
  func.func @transform_4(%arg0: i32) -> (i32, i32) {
    %c0_i32 = arith.constant 0 : i32
    %c0_i32_0 = arith.constant 0 : i32
    %c0_i32_1 = arith.constant 0 : i32
    return %c0_i32, %c0_i32_0 : i32, i32
  }
  func.func @transform_5(%arg0: i32) -> (i32, i32, i32) {
    %c0_i32 = arith.constant 0 : i32
    %c0_i32_0 = arith.constant 0 : i32
    %c0_i32_1 = arith.constant 0 : i32
    return %arg0, %c0_i32, %c0_i32_0 : i32, i32, i32
  }
  func.func @transform_6(%arg0: i32) -> (i32, i32, i32) {
    %c0_i32 = arith.constant 0 : i32
    %c0_i32_0 = arith.constant 0 : i32
    %c0_i32_1 = arith.constant 0 : i32
    return %arg0, %c0_i32, %c0_i32_0 : i32, i32, i32
  }
}

</mosaic_0001>

<sc_bundles>
// kernel: kernel.4.cloned.1.call-start
scs
__scs_entry_jumppad:
0x0: {  	(pc) =	sbr.rel $0x88, $3  }
0x1: {  	(tag) =	ssettag $0x0;
	lr =	simm.s32 $0x1  }
0x2: {  	[smem:$0x3F9D] =	sst lr;
	_ =	strace $0xD0000000  }
0x3: {  	_ = 	snop  }
0x4: {  	_ = 	snop  }
0x5: {  	_ = 	snop  }
0x6: {  	_ = 	snop  }
0x7: {  	_ = 	snop  }
__scs_overlays_trampoline_lowered:
0x8: {  	[smem:$0x3FAC] =	sst s0  }
0x9: {  	[smem:$0x3FAD] =	sst s1  }
0xa: {  	[smem:$0x3FAE] =	sst s2  }
0xb: {  	[smem:$0x3FAF] =	sst s3  }
0xc: {  	[smem:$0x3FB0] =	sst s4  }
0xd: {  	[smem:$0x3FB1] =	sst s5  }
0xe: {  	[smem:$0x3FB2] =	sst s6  }
0xf: {  	[smem:$0x3FB3] =	sst s7  }
0x10: {  	[smem:$0x3FB4] =	sst s8  }
0x11: {  	[smem:$0x3FB5] =	sst s9;
	s0 =	simm.s32 @!p0 $0x0  }
0x12: {  	s1 =	sld [smem:$0x3F9B];
	s0 =	simm.s32 @p0 $0x1  }
0x13: {  	[smem:$0x3FB6] =	sst s0;
	s0 =	simm.s32 @!p1 $0x0  }
0x14: {  	s2 =	sld [smem:$0x3F9A];
	s0 =	simm.s32 @p1 $0x1  }
0x15: {  	[smem:$0x3FB7] =	sst s0;
	s0 =	simm.s32 @!p2 $0x0  }
0x16: {  	s3 =	sld [smem:$0x3FDB];
	s0 =	simm.s32 @p2 $0x1  }
0x17: {  	s4 =	simm.s32 $0x1BF5;
	[smem:$0x3FB9] =	sst s0  }
0x18: {  	s0 =	sld [smem:$0x3F9C];
	_ =	swait.ge [sflag:s4], $0x0  }
0x19: {  	s7 =	sld [smem:$0x3F9D]  }
0x1a: {  	s8 =	sadd.s32 $0xFFFFE003, lr  }
0x1b: {  	s9 =	sadd.s32 $0xFFFFFEF7, lr;
	s5 =	simm.s32 $0xFFFFFFFF;
	p2 =	slt.u32 s8, $0xFFFFF086  }
0x1c: {  	p1 =	slt.u32 s9, $0xF7A;
	s5 =	simm.s32 @!p2 $0x0  }
0x1d: {  	s5 =	simm.s32 @p1 $0x1;
	p0 =	seq.s32 s7, s2  }
0x1e: {  	s7 =	smul.u32 @!p0 $0xF7A, s2;
	p2 =	seq.s32 @!p0 s5, $0x0  }
0x1f: {  	s9 =	smul.u32 $0xF7A, s1;
	s8 =	simm.s32 @!p0 $0x1BF5;
	p2 =	por !p2, p0  }
0x20: {  	[sflag:s8] =	ssyncset.s32 @!p0 $0xFFFFF086;
	s6 =	sadd.s32 @!p0 s3, s7;
	s7 =	simm.s32 @!p0 $0x108  }
0x21: {  	s3 =	sadd.s32 s3, s9;
	s6 =	sadd.s32 @!p0 $0x88, s6;
	s7 =	simm.s32 @p2 $0x1082  }
0x22: {  	[simem:s7], [sflag:s8] =	dma.local @!p0 [hbm:s6], $0xF7A  }
0x23: {  	s9 =	sor.u32 $0xD0000000, s2;
	s6 =	simm.s32 $0x108;
	_ =	swait.ge @!p0 [sflag:s8], $0x0  }
0x24: {  	s3 =	sadd.s32 $0x88, s3;
	s6 =	simm.s32 @!p1 $0x1082;
	[sflag:s4] =	ssyncset.s32 $0xFFFFF086  }
0x25: {  	[simem:s6], [sflag:s4] =	dma.local [hbm:s3], $0xF7A  }
0x26: {  	[smem:$0x3F9D] =	sst s1;
	(tag) =	ssettag s2;
	_ =	strace s9  }
0x27: {  	s1 =	sld [smem:$0x3FAD]  }
0x28: {  	s2 =	sld [smem:$0x3FAE]  }
0x29: {  	s4 =	sld [smem:$0x3FB0]  }
0x2a: {  	p0 =	seq.s32 s5, $0x0;
	s5 =	sld [smem:$0x3FB1]  }
0x2b: {  	s6 =	sld [smem:$0x3FB2]  }
0x2c: {  	s7 =	sld [smem:$0x3FB3]  }
0x2d: {  	s3 =	simm.s32 $0x108;
	s8 =	sld [smem:$0x3FB4]  }
0x2e: {  	s3 =	simm.s32 @!p0 $0x1082;
	s9 =	sld [smem:$0x3FB5]  }
0x2f: {  	lr =	sadd.s32 s0, s3;
	s0 =	sld [smem:$0x3FAC]  }
0x30: {  	s3 =	sld [smem:$0x3FAF]  }
0x31: {  	[smem:$0x3FB8] =	sst s10  }
0x32: {  	s10 =	sld [smem:$0x3FB6];
	_ =	sdelay $0x3  }
0x33: {  	p0 =	seq.s32 s10, $0x1;
	s10 =	sld [smem:$0x3FB8];
	_ =	sdelay $0x3  }
0x34: {  	[smem:$0x3FB8] =	sst s10  }
0x35: {  	s10 =	sld [smem:$0x3FB7];
	_ =	sdelay $0x3  }
0x36: {  	p1 =	seq.s32 s10, $0x1;
	s10 =	sld [smem:$0x3FB8];
	_ =	sdelay $0x3  }
0x37: {  	[smem:$0x3FB8] =	sst s10  }
0x38: {  	s10 =	sld [smem:$0x3FB9]  }
0x39: {  	_ = 	snop;
	(pc) =	sbr.ind lr, $3  }
0x3a: {  	_ = 	snop  }
0x3b: {  	_ = 	snop  }
0x3c: {  	p2 =	seq.s32 s10, $0x1;
	s10 =	sld [smem:$0x3FB8]  }
0x3d: {  	_ =	shalt  }
0x3e: {  	_ =	shalt  }
0x3f: {  	_ =	shalt  }
0x40: {  	_ =	shalt  }
0x41: {  	_ =	shalt  }
0x42: {  	_ =	shalt  }
0x43: {  	_ =	shalt  }
0x44: {  	_ =	shalt  }
0x45: {  	_ =	shalt  }
0x46: {  	_ =	shalt  }
0x47: {  	_ =	shalt  }
0x48: {  	_ =	shalt  }
0x49: {  	_ =	shalt  }
0x4a: {  	_ =	shalt  }
0x4b: {  	_ =	shalt  }
0x4c: {  	_ =	shalt  }
0x4d: {  	_ =	shalt  }
0x4e: {  	_ =	shalt  }
0x4f: {  	_ =	shalt  }
0x50: {  	_ =	shalt  }
0x51: {  	_ =	shalt  }
0x52: {  	_ =	shalt  }
0x53: {  	_ =	shalt  }
0x54: {  	_ =	shalt  }
0x55: {  	_ =	shalt  }
0x56: {  	_ =	shalt  }
0x57: {  	_ =	shalt  }
0x58: {  	_ =	shalt  }
0x59: {  	_ =	shalt  }
0x5a: {  	_ =	shalt  }
0x5b: {  	_ =	shalt  }
0x5c: {  	_ =	shalt  }
0x5d: {  	_ =	shalt  }
0x5e: {  	_ =	shalt  }
0x5f: {  	_ =	shalt  }
0x60: {  	_ =	shalt  }
0x61: {  	_ =	shalt  }
0x62: {  	_ =	shalt  }
0x63: {  	_ =	shalt  }
0x64: {  	_ =	shalt  }
0x65: {  	_ =	shalt  }
0x66: {  	_ =	shalt  }
0x67: {  	_ =	shalt  }
0x68: {  	_ =	shalt  }
0x69: {  	_ =	shalt  }
0x6a: {  	_ =	shalt  }
0x6b: {  	_ =	shalt  }
0x6c: {  	_ =	shalt  }
0x6d: {  	_ =	shalt  }
0x6e: {  	_ =	shalt  }
0x6f: {  	_ =	shalt  }
0x70: {  	_ =	shalt  }
0x71: {  	_ =	shalt  }
0x72: {  	_ =	shalt  }
0x73: {  	_ =	shalt  }
0x74: {  	_ =	shalt  }
0x75: {  	_ =	shalt  }
0x76: {  	_ =	shalt  }
0x77: {  	_ =	shalt  }
0x78: {  	_ =	shalt  }
0x79: {  	_ =	shalt  }
0x7a: {  	_ =	shalt  }
0x7b: {  	_ =	shalt  }
0x7c: {  	_ =	shalt  }
0x7d: {  	_ =	shalt  }
0x7e: {  	_ =	shalt  }
0x7f: {  	_ =	shalt  }
0x80: {  	_ =	shalt  }
0x81: {  	_ =	shalt  }
0x82: {  	_ =	shalt  }
0x83: {  	_ =	shalt  }
0x84: {  	_ =	shalt  }
0x85: {  	_ =	shalt  }
0x86: {  	_ =	shalt  }
0x87: {  	_ =	shalt  }
.Lfunc_end0:
.L_simem_size_0:
called_computation_lowered:
.L_overlay_start_0:
0x88: {  	s0 =	sld [smem:$0x3FD9]  }
0x89: {  	s1 =	sld [smem:$0x3FFE];
	_ =	sdelay $0x3  }
0x8a: {  	s0 =	sadd.s32 s1, s0  }
0x8b: {  	[smem:$0x3FC4] =	sst s0  }
0x8c: {  	_ = 	snop  }
0x8d: {  	s0 =	sld [smem:$0x3FD0];
	_ =	sdelay $0x2  }
0x8e: {  	s13 =	simm.s32 $0xA;
	s2 =	simm.s32 $0x10  }
0x8f: {  	[smem:s2], [sflag:s13] =	dma.local [hbm:s0], $0x1  }
0x90: {  	_ =	swait.eq [sflag:s13], $0x1  }
0x91: {  	[sflag:s13] =	ssyncset.done $0x0  }
0x92: {  	[sflag:s13] =	ssyncadd.s32 $0xFFFFFFFF  }
0x93: {  	s14 =	sld [smem:$0x10];
	(tm) =	ssettm $0x1  }
0x94: {  	s15 =	sld [smem:$0x3FFB];
	_ =	sdelay $0x3  }
0x95: {  	_ =	strace s15  }
0x96: {  	s1 =	sld [smem:$0x3FFC];
	_ =	sdelay $0x3  }
0x97: {  	_ =	strace s1  }
0x98: {  	s1 =	sld [smem:$0x3FFD];
	_ =	sdelay $0x3  }
0x99: {  	_ =	strace s1  }
0x9a: {  	_ =	strace $0x8FFFFFFF  }
0x9b: {  	s16 =	sld [smem:$0x3FDB];
	_ =	sdelay $0x1  }
0x9c: {  	s17 =	simm.s32 $_scs_section_size  }
0x9d: {  	s3 =	simm.s32 $_size__tile_overlayer_lowered;
	s4 =	simm.s32 $_tile_overlayer_lowered  }
0x9e: {  	s20 =	simm.s32 $0x1BFF;
	s19 =	sshll.u32 s4, $0x1;
	s1 =	sadd.s32 s17, s16  }
0x9f: {  	s5 =	simm.s32 $0x0;
	s18 =	sshll.u32 s3, $0x1;
	s3 =	sadd.s32 s19, s1  }
0xa0: {  	[timem:s5], [sflag:s20] =	dma.local [hbm:s3], s18  }
0xa1: {  	_ =	swait.ge [sflag:s20], s18  }
0xa2: {  	s2 =	ssub.s32 $0x0, s18;
	[sflag:s20] =	ssyncset.done $0x0  }
0xa3: {  	[sflag:s20] =	ssyncadd.s32 s2;
	_ =	sdelay $0x1  }
0xa4: {  	s21 =	simm.s32 $0x1B8B  }
0xa5: {  	_ =	swait.ge [sflag:s21], $0x1  }
0xa6: {  	[sflag:s21] =	ssyncset.done $0x0  }
0xa7: {  	s23 =	simm.s32 $0x1B8E;
	s22 =	sld [smem:$0x3FFE];
	[sflag:s21] =	ssyncadd.s32 $0xFFFFFFFF  }
0xa8: {  	s24 =	simm.s32 $execute0_lowered;
	[smem:$0x3FD2] =	sst s23  }
0xa9: {  	s3 =	sshll.u32 s24, $0x1;
	_ =	strace $0x80000046;
	[dreg:$0x1] =	wrdreg $0xFFFFFFFF  }
0xaa: {  	s25 =	simm.s32 $_size_execute0_lowered;
	s1 =	sadd.s32 s1, s3;
	[dreg:$0x0] =	wrdreg $0x0  }
0xab: {  	s3 =	sshll.u32 s25, $0x1;
	[dreg:$0x2] =	wrdreg s1  }
0xac: {  	[dreg:$0x3] =	wrdreg s3  }
0xad: {  	[dreg:$0x4] =	wrdreg $0xC0  }
0xae: {  	_ =	task [dreg:s5], $0x5FFFF  }
0xaf: {  	[dreg:$0x1] =	wrdreg $0xFFFFFFFF  }
0xb0: {  	[dreg:$0x0] =	wrdreg $0x60  }
0xb1: {  	[dreg:$0x2] =	wrdreg s22  }
0xb2: {  	[dreg:$0x3] =	wrdreg s14  }
0xb3: {  	[dreg:$0x4] =	wrdreg $0x9  }
0xb4: {  	_ =	task.clear_ibuf [dreg:s5], $0x5FFFF;
	_ =	strace $0x90000046  }
0xb5: {  	s26 =	simm.s32 $0x9;
	_ =	strace $0x80000048  }
0xb6: {  	_ =	swait.ge [sflag:s26], $0x1  }
0xb7: {  	[sflag:s26] =	ssyncadd.s32 $0xFFFFFFFF  }
0xb8: {  	_ =	strace $0x90000048  }
0xb9: {  	_ =	sfence  }
0xba: {  	s28 =	sld [smem:$0x0];
	_ =	sdelay $0x1  }
0xbb: {  	s29 =	srdreg.scid  }
0xbc: {  	s30 =	sshll.u32 s29, $0xD;
	s31 =	sshrl.u32 s29, $0x2  }
0xbd: {  	s2 =	sand.u32 $0x4000, s30;
	s1 =	sand.u32 $0x1, s29;
	s0 =	sadd.s32 s31, s28  }
0xbe: {  	s1 =	sor.u32 s2, s1;
	s0 =	sshll.u32 s0, $0x11  }
0xbf: {  	s0 =	sor.u32 s0, s1  }
0xc0: {  	s0 =	sadd.s32 $0x8F2B, s0  }
0xc1: {  	[sflag:s0] =	ssyncadd.remote.s32 $0x1  }
0xc2: {  	_ =	sfence.sel $0xFFFF  }
0xc3: {  	[dreg:$0x0] =	wrdreg $0xFFFFFFFF;
	(pc) =	sbr.abs _section_cstart, $3  }
0xc4: {  	[dreg:$0x1] =	wrdreg $0xFFFFFFFF  }
0xc5: {  	_ =	task.clear_ibuf [dreg:s5], $0x2FFFF;
	_ =	strace $0x9FFFFFFF  }
0xc6: {  	(tm) =	ssettm $0x7FFFFFFF  }
0xc7: {  	_ =	shalt  }
tec
execute0_lowered:
.L_overlay_start_1:
0x0: {  	(tag) =	ssettag $0x1  }
0x1: {  	s2 =	rddreg [dreg:$0x0]  }
0x2: {  	s3 =	rddreg [dreg:$0x1];
	s1 =	stileid.u32  }
0x3: {  	s0 =	rddreg [dreg:$0x2];
	s4 =	simm.s32 $0x0;
	s5 =	sshll.u32 s1, $0x6  }
0x4: {  	[smem:$0x7FF] =	sst s4;
	s5 =	sadd.s32 s5, s2  }
0x5: {  	s21 =	simm.s32 $0x6;
	_ =	strace $0x80000047;
	s5 =	sadd.s32 $0x1200, s5  }
0x6: {  	[tilespmem:s4], [sflag:$0x6] =	stream.linear.gather [hbm4b:s5+s4], $0x200, $0x38;
	[tilespmem:$0x4200] =	vst v63  }
0x7: {  	_ =	swait.ge [sflag:s21], $0x200  }
0x8: {  	s22 =	simm.s32 $0x80;
	[sflag:s21] =	ssyncset.done $0x0  }
0x9: {  	s6 =	simm.s32 $0x200;
	s2 =	sadd.s32 $0xA00, s2;
	[sflag:s21] =	ssyncadd.s32 $0xFFFFFE00  }
0xa: {  	[tilespmem:s6], [sflag:$0x1] =	stream.indirect.gather [hbm4b:s2+s22], $0x20, s4, s22, $0xb8;
	[tilespmem:$0x4200] =	vst v63  }
0xb: {  	s7 =	simm.s32 $0x1200  }
0xc: {  	[tilespmem:s7], [sflag:$0x2] =	stream.indirect.gather [hbm4b:s2+s22], $0x20, s22, s22, $0xb8;
	[tilespmem:$0x4200] =	vst v63  }
0xd: {  	s8 =	simm.s32 $0x100;
	s9 =	simm.s32 $0x2200  }
0xe: {  	[tilespmem:s9], [sflag:$0x3] =	stream.indirect.gather [hbm4b:s2+s22], $0x20, s8, s22, $0xb8;
	[tilespmem:$0x4200] =	vst v63  }
0xf: {  	s23 =	simm.s32 $0x180;
	s10 =	simm.s32 $0x3200;
	s24 =	simm.s32 $0x1  }
0x10: {  	[tilespmem:s10], [sflag:$0x4] =	stream.indirect.gather [hbm4b:s2+s22], $0x20, s23, s22, $0xb8;
	[tilespmem:$0x4200] =	vst v63  }
0x11: {  	_ =	swait.ge [sflag:s24], $0x1000  }
0x12: {  	s25 =	sshll.u32 s1, $0xB;
	[sflag:s24] =	ssyncset.done $0x0  }
0x13: {  	s26 =	simm.s32 $0x2;
	s3 =	sadd.s32 s3, s25;
	[sflag:s24] =	ssyncadd.s32 $0xFFFFF000  }
0x14: {  	[hbm4b:s3+s4] =	stream.linear.scatter [tilespmem:s6], [sflag:$0x5], $0x1000, $0x38;
	[tilespmem:$0x4200] =	vst v63  }
0x15: {  	_ =	swait.ge [sflag:s26], $0x1000  }
0x16: {  	[sflag:s26] =	ssyncset.done $0x0  }
0x17: {  	s28 =	simm.s32 $0x3;
	s5 =	sadd.s32 $0x200, s3;
	[sflag:s26] =	ssyncadd.s32 $0xFFFFF000  }
0x18: {  	[hbm4b:s5+s4] =	stream.linear.scatter [tilespmem:s7], [sflag:$0x5], $0x1000, $0x38;
	[tilespmem:$0x4200] =	vst v63  }
0x19: {  	_ =	swait.ge [sflag:s28], $0x1000  }
0x1a: {  	[sflag:s28] =	ssyncset.done $0x0  }
0x1b: {  	s30 =	simm.s32 $0x4;
	s29 =	sadd.s32 $0x400, s3;
	[sflag:s28] =	ssyncadd.s32 $0xFFFFF000  }
0x1c: {  	[hbm4b:s29+s4] =	stream.linear.scatter [tilespmem:s9], [sflag:$0x5], $0x1000, $0x38;
	[tilespmem:$0x4200] =	vst v63  }
0x1d: {  	_ =	swait.ge [sflag:s30], $0x1000  }
0x1e: {  	[sflag:s30] =	ssyncset.done $0x0  }
0x1f: {  	s31 =	simm.s32 $0x5;
	s3 =	sadd.s32 $0x600, s3;
	[sflag:s30] =	ssyncadd.s32 $0xFFFFF000  }
0x20: {  	[hbm4b:s3+s4] =	stream.linear.scatter [tilespmem:s10], [sflag:$0x5], $0x1000, $0x38;
	[tilespmem:$0x4200] =	vst v63  }
0x21: {  	_ =	swait.ge [sflag:s31], $0x1000  }
0x22: {  	[sflag:s31] =	ssyncset.done $0x0  }
0x23: {  	[sflag:s31] =	ssyncadd.s32 $0xFFFFF000  }
0x24: {  	_ =	swait.ge [sflag:s31], $0x1000  }
0x25: {  	[sflag:s31] =	ssyncset.done $0x0  }
0x26: {  	[sflag:s31] =	ssyncadd.s32 $0xFFFFF000  }
0x27: {  	_ =	swait.ge [sflag:s31], $0x1000  }
0x28: {  	[sflag:s31] =	ssyncset.done $0x0  }
0x29: {  	[sflag:s31] =	ssyncadd.s32 $0xFFFFF000  }
0x2a: {  	_ =	swait.ge [sflag:s31], $0x1000  }
0x2b: {  	[sflag:s31] =	ssyncset.done $0x0  }
0x2c: {  	[sflag:s31] =	ssyncadd.s32 $0xFFFFF000  }
0x2d: {  	_ =	sfence.sel $0x180000  }
0x2e: {  	[bflag:$0x0] =	sbarrier.arrive $0xFFFF  }
0x2f: {  	p0 =	sne.s32 s1, $0x0;
	_ =	strace $0x90000047  }
0x30: {  	s0 =	sadd.s32 @!p0 $0x100000, s0;
	[bflag:$0x2] =	sbarrier.arrive $0xFFFF  }
0x31: {  	[sflag:s0] =	ssyncadd.tile.s32 @!p0 $0x1;
	_ =	shalt  }
.Lfunc_end2:
_tile_overlayer_lowered:
.L_overlay_start_2:
0x32: {  	(tag) =	ssettag $0x2  }
0x33: {  	s0 =	rddreg [dreg:$0x0];
	s2 =	stileid.u32  }
0x34: {  	s1 =	rddreg [dreg:$0x1];
	p0 =	sne.s32 s2, $0x0  }
0x35: {  	s3 =	rddreg [dreg:$0x2];
	[bflag:$0x3] =	sbarrier.arrive $0xFFFF;
	s2 =	simm.s32 @!p0 $0x1C06  }
0x36: {  	[timem:s3], [sflag:s2] =	dma.local @!p0 [hbm:s0], s1  }
0x37: {  	s0 =	simm.s32 @!p0 $0x6  }
0x38: {  	_ =	swait.ge @!p0 [sflag:s0], s1  }
0x39: {  	s1 =	ssub.s32 @!p0 $0x0, s1;
	[sflag:s0] =	ssyncset.done @!p0 $0x0  }
0x3a: {  	[sflag:s0] =	ssyncadd.s32 @!p0 s1  }
0x3b: {  	[bflag:$0x3] =	sbarrier.arrive $0xFFFF  }
0x3c: {  	_ =	shalt  }

</sc_bundles>
